<compile_context>
chip_gen: v7x
topology: tpu7x:2x2x1
jax: 0.10.2.dev20260603
libtpu: 0.0.44.dev20260713+nightly
codegen_flags: <defaults>
</compile_context>

<pallas_src>
import functools

import jax
import jax.numpy as jnp
from jax import lax
from jax.experimental import pallas as pl
from jax.experimental.pallas import tpu as pltpu
from jax.experimental.pallas import tpu_sc as plsc

_NUM_CORES = 2
_NUM_SUBCORES = 16
_NUM_WORKERS = _NUM_CORES * _NUM_SUBCORES


def _gather_body(rows_per_worker,
                 idx0_hbm, idx1_hbm, table_hbm,
                 out0_hbm, out1_hbm,
                 idx0_v, idx1_v, vals0_v, vals1_v, sem0, sem1):
    wid = lax.axis_index("s") * _NUM_CORES + lax.axis_index("c")
    base = wid * rows_per_worker
    sl = pl.ds(base, rows_per_worker)
    s0 = pltpu.async_copy(idx0_hbm.at[sl], idx0_v, sem0)
    s1 = pltpu.async_copy(idx1_hbm.at[sl], idx1_v, sem1)
    s0.wait()
    g0 = pltpu.async_copy(table_hbm.at[idx0_v], vals0_v, sem0)
    s1.wait()
    g1 = pltpu.async_copy(table_hbm.at[idx1_v], vals1_v, sem1)
    g0.wait()
    w0 = pltpu.async_copy(vals0_v, out0_hbm.at[sl], sem0)
    g1.wait()
    w1 = pltpu.async_copy(vals1_v, out1_hbm.at[sl], sem1)
    w0.wait()
    w1.wait()


def kernel(item_id, batch_size, item_bias):
    b, n = item_id.shape
    rows_per_worker = b // _NUM_WORKERS
    table = item_bias[:, 0]
    idx0 = item_id[:, 0]
    idx1 = item_id[:, 1]

    mesh = plsc.VectorSubcoreMesh(core_axis_name="c", subcore_axis_name="s")
    out0, out1 = pl.kernel(
        functools.partial(_gather_body, rows_per_worker),
        out_type=(
            jax.ShapeDtypeStruct((b,), jnp.float32),
            jax.ShapeDtypeStruct((b,), jnp.float32),
        ),
        mesh=mesh,
        scratch_types=[
            pltpu.VMEM((rows_per_worker,), jnp.int32),
            pltpu.VMEM((rows_per_worker,), jnp.int32),
            pltpu.VMEM((rows_per_worker,), jnp.float32),
            pltpu.VMEM((rows_per_worker,), jnp.float32),
            pltpu.SemaphoreType.DMA,
            pltpu.SemaphoreType.DMA,
        ],
    )(idx0, idx1, table)
    return jnp.stack([out0, out1], axis=-1)

# --- scband reference (transcript-rebuilt; emitter-appended) ---
"""Pipeline reference for scband-base-model-85718957293568 (READ-ONLY COPY).

The authoritative reference and input builder live on the scoring server;
editing this copy changes nothing except your own understanding.
"""

import jax, jax.numpy as jnp
import numpy as np

ITEM_NUM = 1000000
BATCH = 16384
N_ITEMS_PER_ROW = 2

def setup_inputs(seed: int = 0) -> dict:
    key = jax.random.key(seed)
    k_idx, k_tbl = jax.random.split(key)
    item_id = jax.random.randint(k_idx, (BATCH, N_ITEMS_PER_ROW), 0, ITEM_NUM, dtype=jnp.int64 if jax.config.jax_enable_x64 else jnp.int32)
    # item_bias embedding table: Embedding(item_num, 1), init normal(0, 0.01)
    item_bias = jax.random.normal(k_tbl, (ITEM_NUM, 1), dtype=jnp.float32) * 0.01
    return {"item_id": item_id, "batch_size": BATCH, "item_bias": item_bias}

def reference(item_id, batch_size, item_bias):
    # i_bias = self.item_bias(i_ids)  -> gather rows of [item_num, 1] table
    i_bias = jnp.take(item_bias, item_id, axis=0)  # [B, 2, 1]
    # prediction = i_bias.view(batch_size, -1)
    b = item_id.shape[0]
    prediction = i_bias.reshape(b, -1)  # [B, 2]
    prediction = prediction * (batch_size * 0 + 1)
    return prediction

if __name__ == "__main__":
    import jax
    _d = setup_inputs()
    print(jax.jit(kernel)(*tuple(_d.values())))

</pallas_src>

<mosaic_0001>
#map = affine_map<(d0, d1) -> (0)>
module attributes {stable_mosaic.version = 14 : i64} {
  func.func @_gather_body(%arg0: i32, %arg1: i32, %arg2: memref<16384xi32, #tpu.memory_space<hbm>>, %arg3: memref<16384xi32, #tpu.memory_space<hbm>>, %arg4: memref<1000000xf32, #tpu.memory_space<hbm>>, %arg5: memref<16384xf32, #tpu.memory_space<hbm>>, %arg6: memref<16384xf32, #tpu.memory_space<hbm>>, %arg7: memref<512xi32, #tpu.memory_space<vmem>>, %arg8: memref<512xi32, #tpu.memory_space<vmem>>, %arg9: memref<512xf32, #tpu.memory_space<vmem>>, %arg10: memref<512xf32, #tpu.memory_space<vmem>>, %arg11: memref<!tpu.dma_semaphore, #tpu.memory_space<semaphore_mem>>, %arg12: memref<!tpu.dma_semaphore, #tpu.memory_space<semaphore_mem>>) attributes {dimension_semantics = [#tpu.dimension_semantics<core_parallel>, #tpu.dimension_semantics<subcore_parallel>], iteration_bounds = array<i64: 2, 16>, scalar_prefetch = 0 : i64, scratch_operands = 6 : i64, tpu.core_type = #tpu.core_type<sc_vector_subcore>, window_params = [{transform_indices = #map}, {transform_indices = #map}, {transform_indices = #map}, {transform_indices = #map}, {transform_indices = #map}]} {
    %mul3A = arith.constant 2 : i32
    %mul3A_0 = arith.muli %arg1, %mul3A : i32
    %add3A = arith.addi %mul3A_0, %arg0 : i32
    %mul3A_1 = arith.constant 512 : i32
    %mul3A_2 = arith.muli %add3A, %mul3A_1 : i32
    %dma_start3A = tpu.memref_slice %arg2[%mul3A_2] : memref<16384xi32, #tpu.memory_space<hbm>> -> memref<512xi32, #tpu.memory_space<hbm>>
    %dma_start3A_3 = tpu.memref_slice %arg2[%mul3A_2] : memref<16384xi32, #tpu.memory_space<hbm>> -> memref<512xi32, #tpu.memory_space<hbm>>
    tpu.enqueue_dma source(%dma_start3A_3 : memref<512xi32, #tpu.memory_space<hbm>>) target(%arg7 : memref<512xi32, #tpu.memory_space<vmem>>) target_semaphore(%arg11 : memref<!tpu.dma_semaphore, #tpu.memory_space<semaphore_mem>>)
    %dma_start3A_4 = tpu.memref_slice %arg3[%mul3A_2] : memref<16384xi32, #tpu.memory_space<hbm>> -> memref<512xi32, #tpu.memory_space<hbm>>
    %dma_start3A_5 = tpu.memref_slice %arg3[%mul3A_2] : memref<16384xi32, #tpu.memory_space<hbm>> -> memref<512xi32, #tpu.memory_space<hbm>>
    tpu.enqueue_dma source(%dma_start3A_5 : memref<512xi32, #tpu.memory_space<hbm>>) target(%arg8 : memref<512xi32, #tpu.memory_space<vmem>>) target_semaphore(%arg12 : memref<!tpu.dma_semaphore, #tpu.memory_space<semaphore_mem>>)
    %dma_wait3A = tpu.memref_slice %arg2[%mul3A_2] : memref<16384xi32, #tpu.memory_space<hbm>> -> memref<512xi32, #tpu.memory_space<hbm>>
    %dma_wait3A_6 = tpu.memref_slice %arg2[%mul3A_2] : memref<16384xi32, #tpu.memory_space<hbm>> -> memref<512xi32, #tpu.memory_space<hbm>>
    tpu.wait_dma2 semaphore(%arg11 : memref<!tpu.dma_semaphore, #tpu.memory_space<semaphore_mem>>) src(%dma_wait3A_6 : memref<512xi32, #tpu.memory_space<hbm>>) dst(%arg7 : memref<512xi32, #tpu.memory_space<vmem>>)
    %dma_start3A_7 = arith.constant 0 : i32
    %dma_start3A_8 = tpu.memref_slice %arg4[%dma_start3A_7] : memref<1000000xf32, #tpu.memory_space<hbm>> -> memref<1000000xf32, #tpu.memory_space<hbm>>
    tpu.enqueue_indirect_dma source(%dma_start3A_8 : memref<1000000xf32, #tpu.memory_space<hbm>>) target(%arg9 : memref<512xf32, #tpu.memory_space<vmem>>) offsets(%arg7 : memref<512xi32, #tpu.memory_space<vmem>>) semaphore(%arg11 : memref<!tpu.dma_semaphore, #tpu.memory_space<semaphore_mem>>)
    %dma_wait3A_9 = tpu.memref_slice %arg3[%mul3A_2] : memref<16384xi32, #tpu.memory_space<hbm>> -> memref<512xi32, #tpu.memory_space<hbm>>
    %dma_wait3A_10 = tpu.memref_slice %arg3[%mul3A_2] : memref<16384xi32, #tpu.memory_space<hbm>> -> memref<512xi32, #tpu.memory_space<hbm>>
    tpu.wait_dma2 semaphore(%arg12 : memref<!tpu.dma_semaphore, #tpu.memory_space<semaphore_mem>>) src(%dma_wait3A_10 : memref<512xi32, #tpu.memory_space<hbm>>) dst(%arg8 : memref<512xi32, #tpu.memory_space<vmem>>)
    %dma_start3A_11 = arith.constant 0 : i32
    %dma_start3A_12 = tpu.memref_slice %arg4[%dma_start3A_11] : memref<1000000xf32, #tpu.memory_space<hbm>> -> memref<1000000xf32, #tpu.memory_space<hbm>>
    tpu.enqueue_indirect_dma source(%dma_start3A_12 : memref<1000000xf32, #tpu.memory_space<hbm>>) target(%arg10 : memref<512xf32, #tpu.memory_space<vmem>>) offsets(%arg8 : memref<512xi32, #tpu.memory_space<vmem>>) semaphore(%arg12 : memref<!tpu.dma_semaphore, #tpu.memory_space<semaphore_mem>>)
    %dma_wait3A_13 = arith.constant 0 : i32
    %dma_wait3A_14 = tpu.memref_slice %arg4[%dma_wait3A_13] : memref<1000000xf32, #tpu.memory_space<hbm>> -> memref<1000000xf32, #tpu.memory_space<hbm>>
    tpu.wait_indirect_dma semaphore(%arg11 : memref<!tpu.dma_semaphore, #tpu.memory_space<semaphore_mem>>) src(%dma_wait3A_14 : memref<1000000xf32, #tpu.memory_space<hbm>>) dst(%arg9 : memref<512xf32, #tpu.memory_space<vmem>>)
    %dma_start3A_15 = tpu.memref_slice %arg5[%mul3A_2] : memref<16384xf32, #tpu.memory_space<hbm>> -> memref<512xf32, #tpu.memory_space<hbm>>
    %dma_start3A_16 = tpu.memref_slice %arg5[%mul3A_2] : memref<16384xf32, #tpu.memory_space<hbm>> -> memref<512xf32, #tpu.memory_space<hbm>>
    tpu.enqueue_dma source(%arg9 : memref<512xf32, #tpu.memory_space<vmem>>) target(%dma_start3A_16 : memref<512xf32, #tpu.memory_space<hbm>>) target_semaphore(%arg11 : memref<!tpu.dma_semaphore, #tpu.memory_space<semaphore_mem>>)
    %dma_wait3A_17 = arith.constant 0 : i32
    %dma_wait3A_18 = tpu.memref_slice %arg4[%dma_wait3A_17] : memref<1000000xf32, #tpu.memory_space<hbm>> -> memref<1000000xf32, #tpu.memory_space<hbm>>
    tpu.wait_indirect_dma semaphore(%arg12 : memref<!tpu.dma_semaphore, #tpu.memory_space<semaphore_mem>>) src(%dma_wait3A_18 : memref<1000000xf32, #tpu.memory_space<hbm>>) dst(%arg10 : memref<512xf32, #tpu.memory_space<vmem>>)
    %dma_start3A_19 = tpu.memref_slice %arg6[%mul3A_2] : memref<16384xf32, #tpu.memory_space<hbm>> -> memref<512xf32, #tpu.memory_space<hbm>>
    %dma_start3A_20 = tpu.memref_slice %arg6[%mul3A_2] : memref<16384xf32, #tpu.memory_space<hbm>> -> memref<512xf32, #tpu.memory_space<hbm>>
    tpu.enqueue_dma source(%arg10 : memref<512xf32, #tpu.memory_space<vmem>>) target(%dma_start3A_20 : memref<512xf32, #tpu.memory_space<hbm>>) target_semaphore(%arg12 : memref<!tpu.dma_semaphore, #tpu.memory_space<semaphore_mem>>)
    %dma_wait3A_21 = tpu.memref_slice %arg5[%mul3A_2] : memref<16384xf32, #tpu.memory_space<hbm>> -> memref<512xf32, #tpu.memory_space<hbm>>
    %dma_wait3A_22 = tpu.memref_slice %arg5[%mul3A_2] : memref<16384xf32, #tpu.memory_space<hbm>> -> memref<512xf32, #tpu.memory_space<hbm>>
    tpu.wait_dma2 semaphore(%arg11 : memref<!tpu.dma_semaphore, #tpu.memory_space<semaphore_mem>>) src(%arg9 : memref<512xf32, #tpu.memory_space<vmem>>) dst(%dma_wait3A_22 : memref<512xf32, #tpu.memory_space<hbm>>)
    %dma_wait3A_23 = tpu.memref_slice %arg6[%mul3A_2] : memref<16384xf32, #tpu.memory_space<hbm>> -> memref<512xf32, #tpu.memory_space<hbm>>
    %dma_wait3A_24 = tpu.memref_slice %arg6[%mul3A_2] : memref<16384xf32, #tpu.memory_space<hbm>> -> memref<512xf32, #tpu.memory_space<hbm>>
    tpu.wait_dma2 semaphore(%arg12 : memref<!tpu.dma_semaphore, #tpu.memory_space<semaphore_mem>>) src(%arg10 : memref<512xf32, #tpu.memory_space<vmem>>) dst(%dma_wait3A_24 : memref<512xf32, #tpu.memory_space<hbm>>)
    return
  }
}

</mosaic_0001>

<sc_bundles>
// kernel: kernel.3.cloned.1.call-start
scs
__scs_entry_jumppad:
0x0: {  	(pc) =	sbr.rel $0x88, $3  }
0x1: {  	(tag) =	ssettag $0x0;
	lr =	simm.s32 $0x1  }
0x2: {  	[smem:$0x3F9F] =	sst lr;
	_ =	strace $0xD0000000  }
0x3: {  	_ = 	snop  }
0x4: {  	_ = 	snop  }
0x5: {  	_ = 	snop  }
0x6: {  	_ = 	snop  }
0x7: {  	_ = 	snop  }
__scs_overlays_trampoline_lowered:
0x8: {  	[smem:$0x3FAE] =	sst s0  }
0x9: {  	[smem:$0x3FAF] =	sst s1  }
0xa: {  	[smem:$0x3FB0] =	sst s2  }
0xb: {  	[smem:$0x3FB1] =	sst s3  }
0xc: {  	[smem:$0x3FB2] =	sst s4  }
0xd: {  	[smem:$0x3FB3] =	sst s5  }
0xe: {  	[smem:$0x3FB4] =	sst s6  }
0xf: {  	[smem:$0x3FB5] =	sst s7  }
0x10: {  	[smem:$0x3FB6] =	sst s8  }
0x11: {  	[smem:$0x3FB7] =	sst s9;
	s0 =	simm.s32 @!p0 $0x0  }
0x12: {  	s1 =	sld [smem:$0x3F9D];
	s0 =	simm.s32 @p0 $0x1  }
0x13: {  	[smem:$0x3FB8] =	sst s0;
	s0 =	simm.s32 @!p1 $0x0  }
0x14: {  	s2 =	sld [smem:$0x3F9C];
	s0 =	simm.s32 @p1 $0x1  }
0x15: {  	[smem:$0x3FB9] =	sst s0;
	s0 =	simm.s32 @!p2 $0x0  }
0x16: {  	s3 =	sld [smem:$0x3FDB];
	s0 =	simm.s32 @p2 $0x1  }
0x17: {  	s4 =	simm.s32 $0x1BF5;
	[smem:$0x3FBB] =	sst s0  }
0x18: {  	s0 =	sld [smem:$0x3F9E];
	_ =	swait.ge [sflag:s4], $0x0  }
0x19: {  	s7 =	sld [smem:$0x3F9F]  }
0x1a: {  	s8 =	sadd.s32 $0xFFFFE003, lr  }
0x1b: {  	s9 =	sadd.s32 $0xFFFFFEF7, lr;
	s5 =	simm.s32 $0xFFFFFFFF;
	p2 =	slt.u32 s8, $0xFFFFF086  }
0x1c: {  	p1 =	slt.u32 s9, $0xF7A;
	s5 =	simm.s32 @!p2 $0x0  }
0x1d: {  	s5 =	simm.s32 @p1 $0x1;
	p0 =	seq.s32 s7, s2  }
0x1e: {  	s7 =	smul.u32 @!p0 $0xF7A, s2;
	p2 =	seq.s32 @!p0 s5, $0x0  }
0x1f: {  	s9 =	smul.u32 $0xF7A, s1;
	s8 =	simm.s32 @!p0 $0x1BF5;
	p2 =	por !p2, p0  }
0x20: {  	[sflag:s8] =	ssyncset.s32 @!p0 $0xFFFFF086;
	s6 =	sadd.s32 @!p0 s3, s7;
	s7 =	simm.s32 @!p0 $0x108  }
0x21: {  	s3 =	sadd.s32 s3, s9;
	s6 =	sadd.s32 @!p0 $0x88, s6;
	s7 =	simm.s32 @p2 $0x1082  }
0x22: {  	[simem:s7], [sflag:s8] =	dma.local @!p0 [hbm:s6], $0xF7A  }
0x23: {  	s9 =	sor.u32 $0xD0000000, s2;
	s6 =	simm.s32 $0x108;
	_ =	swait.ge @!p0 [sflag:s8], $0x0  }
0x24: {  	s3 =	sadd.s32 $0x88, s3;
	s6 =	simm.s32 @!p1 $0x1082;
	[sflag:s4] =	ssyncset.s32 $0xFFFFF086  }
0x25: {  	[simem:s6], [sflag:s4] =	dma.local [hbm:s3], $0xF7A  }
0x26: {  	[smem:$0x3F9F] =	sst s1;
	(tag) =	ssettag s2;
	_ =	strace s9  }
0x27: {  	s1 =	sld [smem:$0x3FAF]  }
0x28: {  	s2 =	sld [smem:$0x3FB0]  }
0x29: {  	s4 =	sld [smem:$0x3FB2]  }
0x2a: {  	p0 =	seq.s32 s5, $0x0;
	s5 =	sld [smem:$0x3FB3]  }
0x2b: {  	s6 =	sld [smem:$0x3FB4]  }
0x2c: {  	s7 =	sld [smem:$0x3FB5]  }
0x2d: {  	s3 =	simm.s32 $0x108;
	s8 =	sld [smem:$0x3FB6]  }
0x2e: {  	s3 =	simm.s32 @!p0 $0x1082;
	s9 =	sld [smem:$0x3FB7]  }
0x2f: {  	lr =	sadd.s32 s0, s3;
	s0 =	sld [smem:$0x3FAE]  }
0x30: {  	s3 =	sld [smem:$0x3FB1]  }
0x31: {  	[smem:$0x3FBA] =	sst s10  }
0x32: {  	s10 =	sld [smem:$0x3FB8];
	_ =	sdelay $0x3  }
0x33: {  	p0 =	seq.s32 s10, $0x1;
	s10 =	sld [smem:$0x3FBA];
	_ =	sdelay $0x3  }
0x34: {  	[smem:$0x3FBA] =	sst s10  }
0x35: {  	s10 =	sld [smem:$0x3FB9];
	_ =	sdelay $0x3  }
0x36: {  	p1 =	seq.s32 s10, $0x1;
	s10 =	sld [smem:$0x3FBA];
	_ =	sdelay $0x3  }
0x37: {  	[smem:$0x3FBA] =	sst s10  }
0x38: {  	s10 =	sld [smem:$0x3FBB]  }
0x39: {  	_ = 	snop;
	(pc) =	sbr.ind lr, $3  }
0x3a: {  	_ = 	snop  }
0x3b: {  	_ = 	snop  }
0x3c: {  	p2 =	seq.s32 s10, $0x1;
	s10 =	sld [smem:$0x3FBA]  }
0x3d: {  	_ =	shalt  }
0x3e: {  	_ =	shalt  }
0x3f: {  	_ =	shalt  }
0x40: {  	_ =	shalt  }
0x41: {  	_ =	shalt  }
0x42: {  	_ =	shalt  }
0x43: {  	_ =	shalt  }
0x44: {  	_ =	shalt  }
0x45: {  	_ =	shalt  }
0x46: {  	_ =	shalt  }
0x47: {  	_ =	shalt  }
0x48: {  	_ =	shalt  }
0x49: {  	_ =	shalt  }
0x4a: {  	_ =	shalt  }
0x4b: {  	_ =	shalt  }
0x4c: {  	_ =	shalt  }
0x4d: {  	_ =	shalt  }
0x4e: {  	_ =	shalt  }
0x4f: {  	_ =	shalt  }
0x50: {  	_ =	shalt  }
0x51: {  	_ =	shalt  }
0x52: {  	_ =	shalt  }
0x53: {  	_ =	shalt  }
0x54: {  	_ =	shalt  }
0x55: {  	_ =	shalt  }
0x56: {  	_ =	shalt  }
0x57: {  	_ =	shalt  }
0x58: {  	_ =	shalt  }
0x59: {  	_ =	shalt  }
0x5a: {  	_ =	shalt  }
0x5b: {  	_ =	shalt  }
0x5c: {  	_ =	shalt  }
0x5d: {  	_ =	shalt  }
0x5e: {  	_ =	shalt  }
0x5f: {  	_ =	shalt  }
0x60: {  	_ =	shalt  }
0x61: {  	_ =	shalt  }
0x62: {  	_ =	shalt  }
0x63: {  	_ =	shalt  }
0x64: {  	_ =	shalt  }
0x65: {  	_ =	shalt  }
0x66: {  	_ =	shalt  }
0x67: {  	_ =	shalt  }
0x68: {  	_ =	shalt  }
0x69: {  	_ =	shalt  }
0x6a: {  	_ =	shalt  }
0x6b: {  	_ =	shalt  }
0x6c: {  	_ =	shalt  }
0x6d: {  	_ =	shalt  }
0x6e: {  	_ =	shalt  }
0x6f: {  	_ =	shalt  }
0x70: {  	_ =	shalt  }
0x71: {  	_ =	shalt  }
0x72: {  	_ =	shalt  }
0x73: {  	_ =	shalt  }
0x74: {  	_ =	shalt  }
0x75: {  	_ =	shalt  }
0x76: {  	_ =	shalt  }
0x77: {  	_ =	shalt  }
0x78: {  	_ =	shalt  }
0x79: {  	_ =	shalt  }
0x7a: {  	_ =	shalt  }
0x7b: {  	_ =	shalt  }
0x7c: {  	_ =	shalt  }
0x7d: {  	_ =	shalt  }
0x7e: {  	_ =	shalt  }
0x7f: {  	_ =	shalt  }
0x80: {  	_ =	shalt  }
0x81: {  	_ =	shalt  }
0x82: {  	_ =	shalt  }
0x83: {  	_ =	shalt  }
0x84: {  	_ =	shalt  }
0x85: {  	_ =	shalt  }
0x86: {  	_ =	shalt  }
0x87: {  	_ =	shalt  }
.Lfunc_end0:
.L_simem_size_0:
called_computation_lowered:
.L_overlay_start_0:
0x88: {  	s2 =	sld [smem:$0x3FD9]  }
0x89: {  	s3 =	sld [smem:$0x3FFE];
	_ =	sdelay $0x1  }
0x8a: {  	s1 =	srdreg.scid  }
0x8b: {  	s0 =	sand.u32 $0x1, s1  }
0x8c: {  	s17 =	sshll.u32 s0, $0xA;
	s2 =	sadd.s32 s3, s2  }
0x8d: {  	s2 =	sadd.s32 s2, s17  }
0x8e: {  	[smem:$0x3FC6] =	sst s2  }
0x8f: {  	_ = 	snop  }
0x90: {  	s2 =	sld [smem:$0x3FD0];
	(tm) =	ssettm $0x1  }
0x91: {  	s18 =	sld [smem:$0x3FFB];
	_ =	sdelay $0x3  }
0x92: {  	_ =	strace s18  }
0x93: {  	s3 =	sld [smem:$0x3FFC];
	_ =	sdelay $0x3  }
0x94: {  	_ =	strace s3  }
0x95: {  	s3 =	sld [smem:$0x3FFD];
	_ =	sdelay $0x3  }
0x96: {  	_ =	strace s3  }
0x97: {  	_ =	strace $0x8FFFFFFF  }
0x98: {  	s19 =	sld [smem:$0x3FDB];
	_ =	sdelay $0x1  }
0x99: {  	s4 =	simm.s32 $_scs_section_size  }
0x9a: {  	s5 =	simm.s32 $_size__tile_overlayer_lowered;
	s6 =	simm.s32 $_tile_overlayer_lowered  }
0x9b: {  	s22 =	simm.s32 $0x1BFF;
	s21 =	sshll.u32 s6, $0x1;
	s3 =	sadd.s32 s4, s19  }
0x9c: {  	s7 =	simm.s32 $0x0;
	s20 =	sshll.u32 s5, $0x1;
	s5 =	sadd.s32 s21, s3  }
0x9d: {  	[timem:s7], [sflag:s22] =	dma.local [hbm:s5], s20  }
0x9e: {  	_ =	swait.ge [sflag:s22], s20  }
0x9f: {  	s4 =	ssub.s32 $0x0, s20;
	[sflag:s22] =	ssyncset.done $0x0  }
0xa0: {  	[sflag:s22] =	ssyncadd.s32 s4;
	_ =	sdelay $0x1  }
0xa1: {  	s23 =	simm.s32 $0x1B8B  }
0xa2: {  	_ =	swait.ge [sflag:s23], $0x1  }
0xa3: {  	[sflag:s23] =	ssyncset.done $0x0  }
0xa4: {  	s25 =	simm.s32 $0x1B8E;
	s24 =	sld [smem:$0x3FFE];
	[sflag:s23] =	ssyncadd.s32 $0xFFFFFFFF  }
0xa5: {  	s26 =	simm.s32 $execute0_lowered;
	[smem:$0x3FD2] =	sst s25  }
0xa6: {  	s5 =	sshll.u32 s26, $0x1;
	_ =	strace $0x80000046;
	[dreg:$0x1] =	wrdreg $0xFFFFFFFF  }
0xa7: {  	s28 =	simm.s32 $_size_execute0_lowered;
	s3 =	sadd.s32 s3, s5;
	[dreg:$0x0] =	wrdreg $0x0  }
0xa8: {  	s5 =	sshll.u32 s28, $0x1;
	[dreg:$0x2] =	wrdreg s3  }
0xa9: {  	[dreg:$0x3] =	wrdreg s5  }
0xaa: {  	[dreg:$0x4] =	wrdreg $0xC0  }
0xab: {  	_ =	task [dreg:s7], $0x5FFFF  }
0xac: {  	[dreg:$0x1] =	wrdreg $0xFFFFFFFF  }
0xad: {  	[dreg:$0x0] =	wrdreg $0x60  }
0xae: {  	[dreg:$0x2] =	wrdreg s24  }
0xaf: {  	[dreg:$0x3] =	wrdreg s2  }
0xb0: {  	[dreg:$0x4] =	wrdreg $0x9  }
0xb1: {  	_ =	task.clear_ibuf [dreg:s7], $0x5FFFF;
	_ =	strace $0x90000046  }
0xb2: {  	s29 =	simm.s32 $0x9;
	_ =	strace $0x80000048  }
0xb3: {  	_ =	swait.ge [sflag:s29], $0x1  }
0xb4: {  	[sflag:s29] =	ssyncadd.s32 $0xFFFFFFFF  }
0xb5: {  	_ =	strace $0x90000048  }
0xb6: {  	_ =	sfence  }
0xb7: {  	s30 =	sld [smem:$0x0];
	_ =	sdelay $0x2  }
0xb8: {  	s31 =	sshll.u32 s1, $0xD;
	s1 =	sshrl.u32 s1, $0x2  }
0xb9: {  	s3 =	sand.u32 $0x4000, s31;
	s1 =	sadd.s32 s1, s30  }
0xba: {  	s0 =	sor.u32 s3, s0;
	s1 =	sshll.u32 s1, $0x11  }
0xbb: {  	s0 =	sor.u32 s1, s0  }
0xbc: {  	s0 =	sadd.s32 $0x8F2B, s0  }
0xbd: {  	[sflag:s0] =	ssyncadd.remote.s32 $0x1  }
0xbe: {  	_ =	sfence.sel $0xFFFF  }
0xbf: {  	[dreg:$0x0] =	wrdreg $0xFFFFFFFF;
	(pc) =	sbr.abs _section_cstart, $3  }
0xc0: {  	[dreg:$0x1] =	wrdreg $0xFFFFFFFF  }
0xc1: {  	_ =	task.clear_ibuf [dreg:s7], $0x2FFFF;
	_ =	strace $0x9FFFFFFF  }
0xc2: {  	(tm) =	ssettm $0x7FFFFFFF  }
0xc3: {  	_ =	shalt  }
tec
execute0_lowered:
.L_overlay_start_1:
0x0: {  	(tag) =	ssettag $0x1  }
0x1: {  	s1 =	srdreg.scid  }
0x2: {  	s0 =	stileid.u32;
	s12 =	sand.u32 $0x1, s1  }
0x3: {  	s7 =	rddreg [dreg:$0x0];
	s3 =	sshll.u32 s0, $0x7;
	s5 =	sshll.u32 s12, $0x6  }
0x4: {  	s4 =	rddreg [dreg:$0x1];
	s2 =	simm.s32 $0x0;
	s5 =	sor.u32 s5, s3  }
0x5: {  	[smem:$0x7FF] =	sst s2;
	s13 =	sadd.s32 s5, s7  }
0x6: {  	s1 =	rddreg [dreg:$0x2];
	_ =	strace $0x80000047;
	s3 =	sadd.s32 $0x600, s13  }
0x7: {  	[tilespmem:s2], [sflag:$0x1] =	stream.linear.gather [hbm4b:s3+s2], $0x200, $0x38;
	[tilespmem:$0x800] =	vst v63  }
0x8: {  	s6 =	simm.s32 $0x1;
	s4 =	sadd.s32 s4, s5;
	s5 =	simm.s32 $0x200  }
0x9: {  	[tilespmem:s5], [sflag:$0x2] =	stream.linear.gather [hbm4b:s4+s2], $0x200, $0x38;
	[tilespmem:$0x800] =	vst v63  }
0xa: {  	_ =	swait.ge [sflag:s6], $0x200  }
0xb: {  	s9 =	simm.s32 $0x400;
	[sflag:s6] =	ssyncset.done $0x0  }
0xc: {  	s8 =	simm.s32 $0x2;
	s7 =	sadd.s32 $0xE00, s7;
	[sflag:s6] =	ssyncadd.s32 $0xFFFFFE00  }
0xd: {  	[tilespmem:s9], [sflag:$0x1] =	stream.indirect.gather [hbm4b:s7+s5], $0x1, s2, s5, $0xb8;
	[tilespmem:$0x800] =	vst v63  }
0xe: {  	_ =	swait.ge [sflag:s8], $0x200  }
0xf: {  	[sflag:s8] =	ssyncset.done $0x0  }
0x10: {  	s10 =	simm.s32 $0x600;
	[sflag:s8] =	ssyncadd.s32 $0xFFFFFE00  }
0x11: {  	[tilespmem:s10], [sflag:$0x2] =	stream.indirect.gather [hbm4b:s7+s5], $0x1, s5, s5, $0xb8;
	[tilespmem:$0x800] =	vst v63  }
0x12: {  	_ =	swait.ge [sflag:s6], $0x200  }
0x13: {  	s14 =	ssub.s32 $0x2, s12;
	[sflag:s6] =	ssyncset.done $0x0  }
0x14: {  	s31 =	sshrl.u32 s14, $0x1;
	s11 =	sadd.s32 $0x1F800, s13;
	[sflag:s6] =	ssyncadd.s32 $0xFFFFFE00  }
0x15: {  	[hbm4b:s11+s2] =	stream.linear.scatter [tilespmem:s9], [sflag:$0x1], $0x200, $0x38;
	[tilespmem:$0x800] =	vst v63  }
0x16: {  	s12 =	sadd.s32 $0x20000, s13;
	s13 =	ssub.s32 s14, s31;
	_ =	swait.ge [sflag:s8], $0x200  }
0x17: {  	s13 =	smax.u32 s13, $0x1;
	[sflag:s8] =	ssyncset.done $0x0  }
0x18: {  	p0 =	sne.s32 s13, $0x1;
	[sflag:s8] =	ssyncadd.s32 $0xFFFFFE00  }
0x19: {  	[hbm4b:s12+s2] =	stream.linear.scatter [tilespmem:s10], [sflag:$0x2], $0x200, $0x38;
	[tilespmem:$0x800] =	vst v63  }
.Ltmp0:
0x1a: {  	_ =	swait.ge [sflag:s6], $0x200;
	(pc) =	sbr.rel @!p0 .LBB2_2-.Ltmp0, $4  }
0x1b: {  	[sflag:s6] =	ssyncset.done $0x0  }
0x1c: {  	[sflag:s6] =	ssyncadd.s32 $0xFFFFFE00  }
0x1d: {  	_ =	swait.ge [sflag:s8], $0x200  }
0x1e: {  	s13 =	sadd.s32 $0xFFFFFFFF, s13;
	[sflag:s8] =	ssyncset.done $0x0  }
.LBB2_1:
0x1f: {  	p0 =	sne.s32 s13, $0x1;
	s13 =	sadd.s32 $0xFFFFFFFF, s13;
	[sflag:s8] =	ssyncadd.s32 $0xFFFFFE00  }
0x20: {  	[tilespmem:s2], [sflag:$0x1] =	stream.linear.gather [hbm4b:s3+s2], $0x200, $0x38;
	[tilespmem:$0x800] =	vst v63  }
0x21: {  	_ = 	snop  }
0x22: {  	[tilespmem:s5], [sflag:$0x2] =	stream.linear.gather [hbm4b:s4+s2], $0x200, $0x38;
	[tilespmem:$0x800] =	vst v63  }
0x23: {  	_ =	swait.ge [sflag:s6], $0x200  }
0x24: {  	[sflag:s6] =	ssyncset.done $0x0  }
0x25: {  	[sflag:s6] =	ssyncadd.s32 $0xFFFFFE00  }
0x26: {  	[tilespmem:s9], [sflag:$0x1] =	stream.indirect.gather [hbm4b:s7+s5], $0x1, s2, s5, $0xb8;
	[tilespmem:$0x800] =	vst v63  }
0x27: {  	_ =	swait.ge [sflag:s8], $0x200  }
0x28: {  	[sflag:s8] =	ssyncset.done $0x0  }
0x29: {  	[sflag:s8] =	ssyncadd.s32 $0xFFFFFE00  }
0x2a: {  	[tilespmem:s10], [sflag:$0x2] =	stream.indirect.gather [hbm4b:s7+s5], $0x1, s5, s5, $0xb8;
	[tilespmem:$0x800] =	vst v63  }
0x2b: {  	_ =	swait.ge [sflag:s6], $0x200  }
0x2c: {  	[sflag:s6] =	ssyncset.done $0x0  }
0x2d: {  	[sflag:s6] =	ssyncadd.s32 $0xFFFFFE00  }
0x2e: {  	[hbm4b:s11+s2] =	stream.linear.scatter [tilespmem:s9], [sflag:$0x1], $0x200, $0x38;
	[tilespmem:$0x800] =	vst v63  }
0x2f: {  	_ =	swait.ge [sflag:s8], $0x200  }
0x30: {  	[sflag:s8] =	ssyncset.done $0x0  }
0x31: {  	[sflag:s8] =	ssyncadd.s32 $0xFFFFFE00  }
0x32: {  	[hbm4b:s12+s2] =	stream.linear.scatter [tilespmem:s10], [sflag:$0x2], $0x200, $0x38;
	[tilespmem:$0x800] =	vst v63  }
.Ltmp1:
0x33: {  	_ =	swait.ge [sflag:s6], $0x200;
	(pc) =	sbr.rel @p0 .LBB2_1-.Ltmp1, $4  }
0x34: {  	[sflag:s6] =	ssyncset.done $0x0  }
0x35: {  	[sflag:s6] =	ssyncadd.s32 $0xFFFFFE00  }
0x36: {  	_ =	swait.ge [sflag:s8], $0x200  }
0x37: {  	[sflag:s8] =	ssyncset.done $0x0  }
.LBB2_2:
0x38: {  	[sflag:s8] =	ssyncadd.s32 $0xFFFFFE00  }
0x39: {  	_ =	sfence.sel $0x180000  }
0x3a: {  	[bflag:$0x0] =	sbarrier.arrive $0xFFFF  }
0x3b: {  	p0 =	sne.s32 s0, $0x0;
	_ =	strace $0x90000047  }
0x3c: {  	s0 =	sadd.s32 @!p0 $0x100000, s1;
	[bflag:$0x2] =	sbarrier.arrive $0xFFFF  }
0x3d: {  	[sflag:s0] =	ssyncadd.tile.s32 @!p0 $0x1;
	_ =	shalt  }
.Lfunc_end2:
_tile_overlayer_lowered:
.L_overlay_start_2:
0x3e: {  	(tag) =	ssettag $0x2  }
0x3f: {  	s0 =	rddreg [dreg:$0x0];
	s2 =	stileid.u32  }
0x40: {  	s1 =	rddreg [dreg:$0x1];
	p0 =	sne.s32 s2, $0x0  }
0x41: {  	s3 =	rddreg [dreg:$0x2];
	[bflag:$0x3] =	sbarrier.arrive $0xFFFF;
	s2 =	simm.s32 @!p0 $0x1C03  }
0x42: {  	[timem:s3], [sflag:s2] =	dma.local @!p0 [hbm:s0], s1  }
0x43: {  	s0 =	simm.s32 @!p0 $0x3  }
0x44: {  	_ =	swait.ge @!p0 [sflag:s0], s1  }
0x45: {  	s1 =	ssub.s32 @!p0 $0x0, s1;
	[sflag:s0] =	ssyncset.done @!p0 $0x0  }
0x46: {  	[sflag:s0] =	ssyncadd.s32 @!p0 s1  }
0x47: {  	[bflag:$0x3] =	sbarrier.arrive $0xFFFF  }
0x48: {  	_ =	shalt  }

</sc_bundles>
